<compile_context>
chip_gen: v7x
topology: tpu7x:2x2x1
jax: 0.10.2.dev20260603
libtpu: 0.0.44.dev20260713+nightly
codegen_flags: <defaults>
</compile_context>

<pallas_src>
import functools

import jax
import jax.numpy as jnp
from jax import lax
from jax.experimental import pallas as pl
from jax.experimental.pallas import tpu as pltpu
from jax.experimental.pallas import tpu_sc as plsc

_K = 1.0

_NC, _NS = 2, 16
_NW = _NC * _NS
_CHUNK = 128
_ROW_BLK = 1000


def _proj_body(x_ref, wt_ref, b_ref, h_ref):
    y = jnp.dot(x_ref[...], wt_ref[...], preferred_element_type=jnp.float32)
    y = y + b_ref[...]
    h0 = jnp.sqrt(_K + jnp.sum(y * y, axis=1, keepdims=True))
    col = lax.broadcasted_iota(jnp.int32, y.shape, 1)
    h_ref[...] = jnp.where(col == 0, h0, y)


def _norm_body(mu0_ref, mu1_ref, out_ref):
    mu = mu0_ref[0] + mu1_ref[0]
    t = mu[:, 0:1]
    ss = jnp.sum(mu * mu, axis=1, keepdims=True)
    denom = jnp.sqrt(jnp.maximum(2.0 * t * t - ss, 1e-8))
    hc = (jnp.sqrt(_K) / denom) * mu
    s = jnp.maximum(hc, 0.0)
    s0 = s[:, 0:1]
    o0 = jnp.sqrt(_K + jnp.sum(s * s, axis=1, keepdims=True) - s0 * s0)
    col = lax.broadcasted_iota(jnp.int32, s.shape, 1)
    out_ref[...] = jnp.where(col == 0, o0, s)


@functools.lru_cache(maxsize=None)
def _make_scatter(n_rows, k_chunks, d):
    rows_per_tile = n_rows // _NS
    half = k_chunks // 2
    mesh = plsc.VectorSubcoreMesh(core_axis_name="c", subcore_axis_name="s")

    @functools.partial(
        pl.kernel,
        out_type=jax.ShapeDtypeStruct((_NC, n_rows, d), jnp.float32),
        mesh=mesh,
        scratch_types=[
            pltpu.VMEM((half, _CHUNK), jnp.int32),
            pltpu.VMEM((half, _CHUNK), jnp.int32),
            pltpu.VMEM((2, _CHUNK, d), jnp.float32),
            pltpu.VMEM_SHARED((n_rows, d), jnp.float32),
            pltpu.SemaphoreType.DMA,
            pltpu.SemaphoreType.DMA,
        ],
    )
    def scatter_k(h_hbm, src_hbm, dst_hbm, zero_hbm, out_hbm,
                  src_v, dst_v, rows_v, mu_sh, sem0, sem1):
        cid = lax.axis_index("c")
        sid = lax.axis_index("s")
        wid = cid * _NS + sid
        r0 = sid * rows_per_tile
        pltpu.sync_copy(zero_hbm.at[pl.ds(r0, rows_per_tile)],
                        mu_sh.at[pl.ds(r0, rows_per_tile)])
        plsc.subcore_barrier()

        gsems = (sem0, sem1)

        def run_half(p, carry):
            pltpu.sync_copy(src_hbm.at[wid, pl.ds(p * half, half)], src_v)
            pltpu.sync_copy(dst_hbm.at[wid, pl.ds(p * half, half)], dst_v)
            pltpu.async_copy(h_hbm.at[src_v.at[0]], rows_v.at[0], sem0)
            pltpu.async_copy(h_hbm.at[src_v.at[1]], rows_v.at[1], sem1)

            def step(jj, c):
                for bx in range(2):
                    j = 2 * jj + bx
                    pltpu.make_async_copy(
                        h_hbm.at[src_v.at[j]], rows_v.at[bx], gsems[bx]).wait()
                    pltpu.sync_copy(rows_v.at[bx], mu_sh.at[dst_v.at[j]],
                                    add=True)

                    @pl.when(j + 2 < half)
                    def _prefetch():
                        pltpu.async_copy(
                            h_hbm.at[src_v.at[j + 2]], rows_v.at[bx], gsems[bx])
                return c

            return lax.fori_loop(0, half // 2, step, carry)

        lax.fori_loop(0, 2, run_half, 0)
        plsc.subcore_barrier()
        pltpu.sync_copy(mu_sh.at[pl.ds(r0, rows_per_tile)],
                        out_hbm.at[cid, pl.ds(r0, rows_per_tile)])

    return scatter_k


def kernel(x, edge_index, W, b):
    n, d = x.shape
    e = edge_index.shape[1]

    wt = jnp.concatenate([jnp.zeros((d, 1), x.dtype), W.T], axis=1)
    bp = jnp.concatenate([jnp.zeros((1,), x.dtype), b]).reshape(1, d)
    grid1 = n // _ROW_BLK
    h = pl.pallas_call(
        _proj_body,
        grid=(grid1,),
        in_specs=[
            pl.BlockSpec((_ROW_BLK, d), lambda i: (i, 0)),
            pl.BlockSpec((d, d), lambda i: (0, 0)),
            pl.BlockSpec((1, d), lambda i: (0, 0)),
        ],
        out_specs=pl.BlockSpec((_ROW_BLK, d), lambda i: (i, 0)),
        out_shape=jax.ShapeDtypeStruct((n, d), jnp.float32),
    )(x, wt, bp)

    per_tile = -(-e // _NW)
    k_chunks = -(-per_tile // _CHUNK)
    k_chunks = -(-k_chunks // 4) * 4
    e_pad = _NW * k_chunks * _CHUNK
    n_rows = -(-(n + 1) // (_NS * 8)) * (_NS * 8)
    n_pad = e_pad - e
    pad_dst = n + (jnp.arange(n_pad, dtype=jnp.int32) % (n_rows - n))
    src = jnp.concatenate(
        [edge_index[0], jnp.zeros((n_pad,), jnp.int32)]
    ).reshape(k_chunks, _NW, _CHUNK).transpose(1, 0, 2)
    dst = jnp.concatenate(
        [edge_index[1], pad_dst]
    ).reshape(k_chunks, _NW, _CHUNK).transpose(1, 0, 2)
    zeros = jnp.zeros((n_rows, d), jnp.float32)
    parts = _make_scatter(n_rows, k_chunks, d)(h, src, dst, zeros)

    out = pl.pallas_call(
        _norm_body,
        grid=(grid1,),
        in_specs=[
            pl.BlockSpec((1, _ROW_BLK, d), lambda i: (0, i, 0)),
            pl.BlockSpec((1, _ROW_BLK, d), lambda i: (1, i, 0)),
        ],
        out_specs=pl.BlockSpec((_ROW_BLK, d), lambda i: (i, 0)),
        out_shape=jax.ShapeDtypeStruct((n, d), jnp.float32),
    )(parts, parts)
    return (out, edge_index)

# --- scband reference (transcript-rebuilt; emitter-appended) ---
"""Pipeline reference for scband-full-lorentz-graph-neural-network-21199958573130 (READ-ONLY COPY).

The authoritative reference and input builder live on the scoring server;
editing this copy changes nothing except your own understanding.
"""

import jax, jax.numpy as jnp
import numpy as np

C_IN = 1.0  # curvature c_in from init_kwargs


def _minkowski(u, v):
    # Lorentzian (Minkowski) inner product <u, v>_L = -u0*v0 + <u_s, v_s>
    return -u[..., 0] * v[..., 0] + jnp.sum(u[..., 1:] * v[..., 1:], axis=-1)


def setup_inputs(seed: int = 0) -> dict:
    key = jax.random.key(seed)
    k1, k2, k3 = jax.random.split(key, 3)
    N, E, d = 10000, 320000, 128
    K = 1.0 / C_IN
    # Put x on the hyperboloid: x0 = sqrt(K + ||x_s||^2)
    xs = jax.random.normal(k1, (N, d - 1), dtype=jnp.float32)
    x0 = jnp.sqrt(K + jnp.sum(xs * xs, axis=-1, keepdims=True))
    x = jnp.concatenate([x0, xs], axis=-1)
    # COO adjacency with unit edge weights (sparse representation of adj)
    edge_index = jax.random.randint(k2, (2, E), 0, N, dtype=jnp.int32)
    # LorentzProjection params: fully-hyperbolic linear maps ambient d -> space part (d_out-1)
    W = jax.random.normal(k3, (d - 1, d), dtype=jnp.float32) * 0.05
    b = jnp.zeros((d - 1,), dtype=jnp.float32)
    return {"x": x, "edge_index": edge_index, "W": W, "b": b}


def reference(x, edge_index, W, b):
    K = 1.0 / C_IN
    N = x.shape[0]
    # --- LorentzProjection (fully-hyperbolic Lorentz linear) ---
    hs = x @ W.T + b                                   # [N, d-1] space part
    h0 = jnp.sqrt(K + jnp.sum(hs * hs, axis=-1, keepdims=True))
    h = jnp.concatenate([h0, hs], axis=-1)             # [N, d] on hyperboloid
    # --- manifold.centroid(h, adj): Lorentzian centroid of neighbors ---
    src = edge_index[0]
    dst = edge_index[1]
    msgs = jnp.take(h, src, axis=0)                    # gather  [E, d]
    mu = jax.ops.segment_sum(msgs, dst, num_segments=N)  # scatter-add [N, d]
    denom = jnp.sqrt(jnp.clip(-_minkowski(mu, mu), 1e-8))[..., None]
    h = jnp.sqrt(K) * mu / denom                       # project centroid back onto hyperboloid
    # --- LorentzAct: act on space part, recompute time coordinate ---
    s = jax.nn.relu(h[..., 1:])
    o0 = jnp.sqrt(K + jnp.sum(s * s, axis=-1, keepdims=True))
    out = jnp.concatenate([o0, s], axis=-1)
    return (out, edge_index)

if __name__ == "__main__":
    import jax
    _d = setup_inputs()
    print(jax.jit(kernel)(*tuple(_d.values())))

</pallas_src>

<mosaic_0001>
#map = affine_map<(d0, d1) -> (0, 0)>
#map1 = affine_map<(d0, d1) -> (0, 0, 0)>
module attributes {stable_mosaic.version = 14 : i64} {
  func.func @scatter_k(%arg0: i32, %arg1: i32, %arg2: memref<10000x128xf32, #tpu.memory_space<hbm>>, %arg3: memref<32x80x128xi32, #tpu.memory_space<hbm>>, %arg4: memref<32x80x128xi32, #tpu.memory_space<hbm>>, %arg5: memref<10112x128xf32, #tpu.memory_space<hbm>>, %arg6: memref<2x10112x128xf32, #tpu.memory_space<hbm>>, %arg7: memref<40x128xi32, #tpu.memory_space<vmem>>, %arg8: memref<40x128xi32, #tpu.memory_space<vmem>>, %arg9: memref<2x128x128xf32, #tpu.memory_space<vmem>>, %arg10: memref<10112x128xf32, #tpu.memory_space<vmem_shared>>, %arg11: memref<!tpu.dma_semaphore, #tpu.memory_space<semaphore_mem>>, %arg12: memref<!tpu.dma_semaphore, #tpu.memory_space<semaphore_mem>>) attributes {dimension_semantics = [#tpu.dimension_semantics<core_parallel>, #tpu.dimension_semantics<subcore_parallel>], iteration_bounds = array<i64: 2, 16>, scalar_prefetch = 0 : i64, scratch_operands = 6 : i64, tpu.core_type = #tpu.core_type<sc_vector_subcore>, window_params = [{transform_indices = #map}, {transform_indices = #map1}, {transform_indices = #map1}, {transform_indices = #map}, {transform_indices = #map1}]} {
    %mul3A = arith.constant 16 : i32
    %mul3A_0 = arith.muli %arg0, %mul3A : i32
    %add3A = arith.addi %mul3A_0, %arg1 : i32
    %mul3A_1 = arith.constant 632 : i32
    %mul3A_2 = arith.muli %arg1, %mul3A_1 : i32
    "tpu.region"() ({
      %run_scoped3A = tpu.sem_alloc : memref<!tpu.dma_semaphore, #tpu.memory_space<semaphore_mem>>
      %dma_start3A = arith.constant 0 : i32
      %dma_start3A_9 = tpu.memref_slice %arg10[%mul3A_2, %dma_start3A] : memref<10112x128xf32, #tpu.memory_space<vmem_shared>> -> memref<632x128xf32, #tpu.memory_space<vmem_shared>>
      %dma_start3A_10 = arith.constant 0 : i32
      %dma_start3A_11 = tpu.memref_slice %arg5[%mul3A_2, %dma_start3A_10] : memref<10112x128xf32, #tpu.memory_space<hbm>> -> memref<632x128xf32, #tpu.memory_space<hbm>>
      tpu.enqueue_dma source(%dma_start3A_11 : memref<632x128xf32, #tpu.memory_space<hbm>>) target(%dma_start3A_9 : memref<632x128xf32, #tpu.memory_space<vmem_shared>>) target_semaphore(%run_scoped3A : memref<!tpu.dma_semaphore, #tpu.memory_space<semaphore_mem>>)
      %dma_wait3A = arith.constant 0 : i32
      %dma_wait3A_12 = tpu.memref_slice %arg10[%mul3A_2, %dma_wait3A] : memref<10112x128xf32, #tpu.memory_space<vmem_shared>> -> memref<632x128xf32, #tpu.memory_space<vmem_shared>>
      %dma_wait3A_13 = arith.constant 0 : i32
      %dma_wait3A_14 = tpu.memref_slice %arg5[%mul3A_2, %dma_wait3A_13] : memref<10112x128xf32, #tpu.memory_space<hbm>> -> memref<632x128xf32, #tpu.memory_space<hbm>>
      tpu.wait_dma2 semaphore(%run_scoped3A : memref<!tpu.dma_semaphore, #tpu.memory_space<semaphore_mem>>) src(%dma_wait3A_14 : memref<632x128xf32, #tpu.memory_space<hbm>>) dst(%dma_wait3A_12 : memref<632x128xf32, #tpu.memory_space<vmem_shared>>)
      tpu.yield
    }) : () -> ()
    %barrier3A = arith.constant 0 : index
    tpu.barrier barrier_id(%barrier3A)
    %scan3A = arith.constant 0 : i32
    %scan3A_3 = arith.constant 0 : i32
    %scan3A_4 = arith.constant 2 : i32
    %scan3A_5 = arith.addi %scan3A_3, %scan3A_4 : i32
    %scan3A_6 = arith.constant 1 : i32
    scf.for %scan3A_9 = %scan3A_3 to %scan3A_5 step %scan3A_6  : i32 {
      %mul3A_10 = arith.constant 40 : i32
      %mul3A_11 = arith.muli %scan3A_9, %mul3A_10 : i32
      "tpu.region"() ({
        %run_scoped3A = tpu.sem_alloc : memref<!tpu.dma_semaphore, #tpu.memory_space<semaphore_mem>>
        %dma_start3A_42 = arith.constant 0 : i32
        %dma_start3A_43 = tpu.memref_slice %arg3[%add3A, %mul3A_11, %dma_start3A_42] : memref<32x80x128xi32, #tpu.memory_space<hbm>> -> memref<1x40x128xi32, #tpu.memory_space<hbm>>
        %dma_start3A_44 = tpu.memref_squeeze %dma_start3A_43 : memref<1x40x128xi32, #tpu.memory_space<hbm>> -> memref<40x128xi32, #tpu.memory_space<hbm>>
        %dma_start3A_45 = arith.constant 0 : i32
        %dma_start3A_46 = tpu.memref_slice %arg3[%add3A, %mul3A_11, %dma_start3A_45] : memref<32x80x128xi32, #tpu.memory_space<hbm>> -> memref<1x40x128xi32, #tpu.memory_space<hbm>>
        %dma_start3A_47 = tpu.memref_squeeze %dma_start3A_46 : memref<1x40x128xi32, #tpu.memory_space<hbm>> -> memref<40x128xi32, #tpu.memory_space<hbm>>
        tpu.enqueue_dma source(%dma_start3A_47 : memref<40x128xi32, #tpu.memory_space<hbm>>) target(%arg7 : memref<40x128xi32, #tpu.memory_space<vmem>>) target_semaphore(%run_scoped3A : memref<!tpu.dma_semaphore, #tpu.memory_space<semaphore_mem>>)
        %dma_wait3A = arith.constant 0 : i32
        %dma_wait3A_48 = tpu.memref_slice %arg3[%add3A, %mul3A_11, %dma_wait3A] : memref<32x80x128xi32, #tpu.memory_space<hbm>> -> memref<1x40x128xi32, #tpu.memory_space<hbm>>
        %dma_wait3A_49 = tpu.memref_squeeze %dma_wait3A_48 : memref<1x40x128xi32, #tpu.memory_space<hbm>> -> memref<40x128xi32, #tpu.memory_space<hbm>>
        %dma_wait3A_50 = arith.constant 0 : i32
        %dma_wait3A_51 = tpu.memref_slice %arg3[%add3A, %mul3A_11, %dma_wait3A_50] : memref<32x80x128xi32, #tpu.memory_space<hbm>> -> memref<1x40x128xi32, #tpu.memory_space<hbm>>
        %dma_wait3A_52 = tpu.memref_squeeze %dma_wait3A_51 : memref<1x40x128xi32, #tpu.memory_space<hbm>> -> memref<40x128xi32, #tpu.memory_space<hbm>>
        tpu.wait_dma2 semaphore(%run_scoped3A : memref<!tpu.dma_semaphore, #tpu.memory_space<semaphore_mem>>) src(%dma_wait3A_52 : memref<40x128xi32, #tpu.memory_space<hbm>>) dst(%arg7 : memref<40x128xi32, #tpu.memory_space<vmem>>)
        tpu.yield
      }) : () -> ()
      %mul3A_12 = arith.constant 40 : i32
      %mul3A_13 = arith.muli %scan3A_9, %mul3A_12 : i32
      "tpu.region"() ({
        %run_scoped3A = tpu.sem_alloc : memref<!tpu.dma_semaphore, #tpu.memory_space<semaphore_mem>>
        %dma_start3A_42 = arith.constant 0 : i32
        %dma_start3A_43 = tpu.memref_slice %arg4[%add3A, %mul3A_13, %dma_start3A_42] : memref<32x80x128xi32, #tpu.memory_space<hbm>> -> memref<1x40x128xi32, #tpu.memory_space<hbm>>
        %dma_start3A_44 = tpu.memref_squeeze %dma_start3A_43 : memref<1x40x128xi32, #tpu.memory_space<hbm>> -> memref<40x128xi32, #tpu.memory_space<hbm>>
        %dma_start3A_45 = arith.constant 0 : i32
        %dma_start3A_46 = tpu.memref_slice %arg4[%add3A, %mul3A_13, %dma_start3A_45] : memref<32x80x128xi32, #tpu.memory_space<hbm>> -> memref<1x40x128xi32, #tpu.memory_space<hbm>>
        %dma_start3A_47 = tpu.memref_squeeze %dma_start3A_46 : memref<1x40x128xi32, #tpu.memory_space<hbm>> -> memref<40x128xi32, #tpu.memory_space<hbm>>
        tpu.enqueue_dma source(%dma_start3A_47 : memref<40x128xi32, #tpu.memory_space<hbm>>) target(%arg8 : memref<40x128xi32, #tpu.memory_space<vmem>>) target_semaphore(%run_scoped3A : memref<!tpu.dma_semaphore, #tpu.memory_space<semaphore_mem>>)
        %dma_wait3A = arith.constant 0 : i32
        %dma_wait3A_48 = tpu.memref_slice %arg4[%add3A, %mul3A_13, %dma_wait3A] : memref<32x80x128xi32, #tpu.memory_space<hbm>> -> memref<1x40x128xi32, #tpu.memory_space<hbm>>
        %dma_wait3A_49 = tpu.memref_squeeze %dma_wait3A_48 : memref<1x40x128xi32, #tpu.memory_space<hbm>> -> memref<40x128xi32, #tpu.memory_space<hbm>>
        %dma_wait3A_50 = arith.constant 0 : i32
        %dma_wait3A_51 = tpu.memref_slice %arg4[%add3A, %mul3A_13, %dma_wait3A_50] : memref<32x80x128xi32, #tpu.memory_space<hbm>> -> memref<1x40x128xi32, #tpu.memory_space<hbm>>
        %dma_wait3A_52 = tpu.memref_squeeze %dma_wait3A_51 : memref<1x40x128xi32, #tpu.memory_space<hbm>> -> memref<40x128xi32, #tpu.memory_space<hbm>>
        tpu.wait_dma2 semaphore(%run_scoped3A : memref<!tpu.dma_semaphore, #tpu.memory_space<semaphore_mem>>) src(%dma_wait3A_52 : memref<40x128xi32, #tpu.memory_space<hbm>>) dst(%arg8 : memref<40x128xi32, #tpu.memory_space<vmem>>)
        tpu.yield
      }) : () -> ()
      %dma_start3A = arith.constant 0 : i32
      %dma_start3A_14 = arith.constant 0 : i32
      %dma_start3A_15 = arith.constant 0 : i32
      %dma_start3A_16 = arith.constant 0 : i32
      %dma_start3A_17 = tpu.memref_slice %arg9[%dma_start3A_14, %dma_start3A_15, %dma_start3A_16] : memref<2x128x128xf32, #tpu.memory_space<vmem>> -> memref<1x128x128xf32, #tpu.memory_space<vmem>>
      %dma_start3A_18 = tpu.memref_squeeze %dma_start3A_17 : memref<1x128x128xf32, #tpu.memory_space<vmem>> -> memref<128x128xf32, #tpu.memory_space<vmem>>
      %dma_start3A_19 = arith.constant 0 : i32
      %dma_start3A_20 = tpu.memref_slice %arg7[%dma_start3A, %dma_start3A_19] : memref<40x128xi32, #tpu.memory_space<vmem>> -> memref<1x128xi32, #tpu.memory_space<vmem>>
      %dma_start3A_21 = tpu.memref_squeeze %dma_start3A_20 : memref<1x128xi32, #tpu.memory_space<vmem>> -> memref<128xi32, #tpu.memory_space<vmem>>
      %dma_start3A_22 = arith.constant 0 : i32
      %dma_start3A_23 = arith.constant 0 : i32
      %dma_start3A_24 = tpu.memref_slice %arg2[%dma_start3A_22, %dma_start3A_23] : memref<10000x128xf32, #tpu.memory_space<hbm>> -> memref<10000x128xf32, #tpu.memory_space<hbm>>
      tpu.enqueue_indirect_dma source(%dma_start3A_24 : memref<10000x128xf32, #tpu.memory_space<hbm>>) target(%dma_start3A_18 : memref<128x128xf32, #tpu.memory_space<vmem>>) offsets(%dma_start3A_21 : memref<128xi32, #tpu.memory_space<vmem>>) semaphore(%arg11 : memref<!tpu.dma_semaphore, #tpu.memory_space<semaphore_mem>>)
      %dma_start3A_25 = arith.constant 1 : i32
      %dma_start3A_26 = arith.constant 1 : i32
      %dma_start3A_27 = arith.constant 0 : i32
      %dma_start3A_28 = arith.constant 0 : i32
      %dma_start3A_29 = tpu.memref_slice %arg9[%dma_start3A_26, %dma_start3A_27, %dma_start3A_28] : memref<2x128x128xf32, #tpu.memory_space<vmem>> -> memref<1x128x128xf32, #tpu.memory_space<vmem>>
      %dma_start3A_30 = tpu.memref_squeeze %dma_start3A_29 : memref<1x128x128xf32, #tpu.memory_space<vmem>> -> memref<128x128xf32, #tpu.memory_space<vmem>>
      %dma_start3A_31 = arith.constant 0 : i32
      %dma_start3A_32 = tpu.memref_slice %arg7[%dma_start3A_25, %dma_start3A_31] : memref<40x128xi32, #tpu.memory_space<vmem>> -> memref<1x128xi32, #tpu.memory_space<vmem>>
      %dma_start3A_33 = tpu.memref_squeeze %dma_start3A_32 : memref<1x128xi32, #tpu.memory_space<vmem>> -> memref<128xi32, #tpu.memory_space<vmem>>
      %dma_start3A_34 = arith.constant 0 : i32
      %dma_start3A_35 = arith.constant 0 : i32
      %dma_start3A_36 = tpu.memref_slice %arg2[%dma_start3A_34, %dma_start3A_35] : memref<10000x128xf32, #tpu.memory_space<hbm>> -> memref<10000x128xf32, #tpu.memory_space<hbm>>
      tpu.enqueue_indirect_dma source(%dma_start3A_36 : memref<10000x128xf32, #tpu.memory_space<hbm>>) target(%dma_start3A_30 : memref<128x128xf32, #tpu.memory_space<vmem>>) offsets(%dma_start3A_33 : memref<128xi32, #tpu.memory_space<vmem>>) semaphore(%arg12 : memref<!tpu.dma_semaphore, #tpu.memory_space<semaphore_mem>>)
      %scan3A_37 = arith.constant 0 : i32
      %scan3A_38 = arith.constant 20 : i32
      %scan3A_39 = arith.addi %scan3A_37, %scan3A_38 : i32
      %scan3A_40 = arith.constant 1 : i32
      scf.for %scan3A_42 = %scan3A_37 to %scan3A_39 step %scan3A_40  : i32 {
        %mul3A_43 = arith.constant 2 : i32
        %mul3A_44 = arith.muli %mul3A_43, %scan3A_42 : i32
        %add3A_45 = arith.constant 0 : i32
        %add3A_46 = arith.addi %mul3A_44, %add3A_45 : i32
        %dma_wait3A = arith.constant 0 : i32
        %dma_wait3A_47 = arith.constant 0 : i32
        %dma_wait3A_48 = arith.constant 0 : i32
        %dma_wait3A_49 = tpu.memref_slice %arg9[%dma_wait3A, %dma_wait3A_47, %dma_wait3A_48] : memref<2x128x128xf32, #tpu.memory_space<vmem>> -> memref<1x128x128xf32, #tpu.memory_space<vmem>>
        %dma_wait3A_50 = tpu.memref_squeeze %dma_wait3A_49 : memref<1x128x128xf32, #tpu.memory_space<vmem>> -> memref<128x128xf32, #tpu.memory_space<vmem>>
        %dma_wait3A_51 = arith.constant 0 : i32
        %dma_wait3A_52 = tpu.memref_slice %arg7[%add3A_46, %dma_wait3A_51] : memref<40x128xi32, #tpu.memory_space<vmem>> -> memref<1x128xi32, #tpu.memory_space<vmem>>
        %dma_wait3A_53 = tpu.memref_squeeze %dma_wait3A_52 : memref<1x128xi32, #tpu.memory_space<vmem>> -> memref<128xi32, #tpu.memory_space<vmem>>
        %dma_wait3A_54 = arith.constant 0 : i32
        %dma_wait3A_55 = arith.constant 0 : i32
        %dma_wait3A_56 = tpu.memref_slice %arg2[%dma_wait3A_54, %dma_wait3A_55] : memref<10000x128xf32, #tpu.memory_space<hbm>> -> memref<10000x128xf32, #tpu.memory_space<hbm>>
        tpu.wait_indirect_dma semaphore(%arg11 : memref<!tpu.dma_semaphore, #tpu.memory_space<semaphore_mem>>) src(%dma_wait3A_56 : memref<10000x128xf32, #tpu.memory_space<hbm>>) dst(%dma_wait3A_50 : memref<128x128xf32, #tpu.memory_space<vmem>>)
        %run_scoped3A = arith.constant 0 : i32
        "tpu.region"() ({
          %run_scoped3A_84 = tpu.sem_alloc : memref<!tpu.dma_semaphore, #tpu.memory_space<semaphore_mem>>
          %dma_start3A_85 = arith.constant 0 : i32
          %dma_start3A_86 = arith.constant 0 : i32
          %dma_start3A_87 = tpu.memref_slice %arg9[%run_scoped3A, %dma_start3A_85, %dma_start3A_86] : memref<2x128x128xf32, #tpu.memory_space<vmem>> -> memref<1x128x128xf32, #tpu.memory_space<vmem>>
          %dma_start3A_88 = tpu.memref_squeeze %dma_start3A_87 : memref<1x128x128xf32, #tpu.memory_space<vmem>> -> memref<128x128xf32, #tpu.memory_space<vmem>>
          %dma_start3A_89 = arith.constant 0 : i32
          %dma_start3A_90 = tpu.memref_slice %arg8[%add3A_46, %dma_start3A_89] : memref<40x128xi32, #tpu.memory_space<vmem>> -> memref<1x128xi32, #tpu.memory_space<vmem>>
          %dma_start3A_91 = tpu.memref_squeeze %dma_start3A_90 : memref<1x128xi32, #tpu.memory_space<vmem>> -> memref<128xi32, #tpu.memory_space<vmem>>
          %dma_start3A_92 = arith.constant 0 : i32
          %dma_start3A_93 = arith.constant 0 : i32
          %dma_start3A_94 = tpu.memref_slice %arg10[%dma_start3A_92, %dma_start3A_93] : memref<10112x128xf32, #tpu.memory_space<vmem_shared>> -> memref<10112x128xf32, #tpu.memory_space<vmem_shared>>
          tpu.enqueue_indirect_dma source(%dma_start3A_88 : memref<128x128xf32, #tpu.memory_space<vmem>>) target(%dma_start3A_94 : memref<10112x128xf32, #tpu.memory_space<vmem_shared>>) offsets(%dma_start3A_91 : memref<128xi32, #tpu.memory_space<vmem>>) semaphore(%run_scoped3A_84 : memref<!tpu.dma_semaphore, #tpu.memory_space<semaphore_mem>>) {add = true}
          %dma_wait3A_95 = arith.constant 0 : i32
          %dma_wait3A_96 = arith.constant 0 : i32
          %dma_wait3A_97 = tpu.memref_slice %arg9[%run_scoped3A, %dma_wait3A_95, %dma_wait3A_96] : memref<2x128x128xf32, #tpu.memory_space<vmem>> -> memref<1x128x128xf32, #tpu.memory_space<vmem>>
          %dma_wait3A_98 = tpu.memref_squeeze %dma_wait3A_97 : memref<1x128x128xf32, #tpu.memory_space<vmem>> -> memref<128x128xf32, #tpu.memory_space<vmem>>
          %dma_wait3A_99 = arith.constant 0 : i32
          %dma_wait3A_100 = tpu.memref_slice %arg8[%add3A_46, %dma_wait3A_99] : memref<40x128xi32, #tpu.memory_space<vmem>> -> memref<1x128xi32, #tpu.memory_space<vmem>>
          %dma_wait3A_101 = tpu.memref_squeeze %dma_wait3A_100 : memref<1x128xi32, #tpu.memory_space<vmem>> -> memref<128xi32, #tpu.memory_space<vmem>>
          %dma_wait3A_102 = arith.constant 0 : i32
          %dma_wait3A_103 = arith.constant 0 : i32
          %dma_wait3A_104 = tpu.memref_slice %arg10[%dma_wait3A_102, %dma_wait3A_103] : memref<10112x128xf32, #tpu.memory_space<vmem_shared>> -> memref<10112x128xf32, #tpu.memory_space<vmem_shared>>
          tpu.wait_indirect_dma semaphore(%run_scoped3A_84 : memref<!tpu.dma_semaphore, #tpu.memory_space<semaphore_mem>>) src(%dma_wait3A_98 : memref<128x128xf32, #tpu.memory_space<vmem>>) dst(%dma_wait3A_104 : memref<10112x128xf32, #tpu.memory_space<vmem_shared>>)
          tpu.yield
        }) : () -> ()
        %add3A_57 = arith.constant 2 : i32
        %add3A_58 = arith.addi %add3A_46, %add3A_57 : i32
        %lt3A = arith.constant 40 : i32
        %lt3A_59 = arith.cmpi slt, %add3A_58, %lt3A : i32
        %convert_element_type3A = arith.extui %lt3A_59 : i1 to i32
        %cond3A = arith.constant 0 : i32
        %cond3A_60 = arith.cmpi ne, %convert_element_type3A, %cond3A : i32
        scf.if %cond3A_60 {
          %add3A_84 = arith.constant 2 : i32
          %add3A_85 = arith.addi %add3A_46, %add3A_84 : i32
          %dma_start3A_86 = arith.constant 0 : i32
          %dma_start3A_87 = arith.constant 0 : i32
          %dma_start3A_88 = arith.constant 0 : i32
          %dma_start3A_89 = tpu.memref_slice %arg9[%dma_start3A_86, %dma_start3A_87, %dma_start3A_88] : memref<2x128x128xf32, #tpu.memory_space<vmem>> -> memref<1x128x128xf32, #tpu.memory_space<vmem>>
          %dma_start3A_90 = tpu.memref_squeeze %dma_start3A_89 : memref<1x128x128xf32, #tpu.memory_space<vmem>> -> memref<128x128xf32, #tpu.memory_space<vmem>>
          %dma_start3A_91 = arith.constant 0 : i32
          %dma_start3A_92 = tpu.memref_slice %arg7[%add3A_85, %dma_start3A_91] : memref<40x128xi32, #tpu.memory_space<vmem>> -> memref<1x128xi32, #tpu.memory_space<vmem>>
          %dma_start3A_93 = tpu.memref_squeeze %dma_start3A_92 : memref<1x128xi32, #tpu.memory_space<vmem>> -> memref<128xi32, #tpu.memory_space<vmem>>
          %dma_start3A_94 = arith.constant 0 : i32
          %dma_start3A_95 = arith.constant 0 : i32
          %dma_start3A_96 = tpu.memref_slice %arg2[%dma_start3A_94, %dma_start3A_95] : memref<10000x128xf32, #tpu.memory_space<hbm>> -> memref<10000x128xf32, #tpu.memory_space<hbm>>
          tpu.enqueue_indirect_dma source(%dma_start3A_96 : memref<10000x128xf32, #tpu.memory_space<hbm>>) target(%dma_start3A_90 : memref<128x128xf32, #tpu.memory_space<vmem>>) offsets(%dma_start3A_93 : memref<128xi32, #tpu.memory_space<vmem>>) semaphore(%arg11 : memref<!tpu.dma_semaphore, #tpu.memory_space<semaphore_mem>>)
        } else {
        }
        %mul3A_61 = arith.constant 2 : i32
        %mul3A_62 = arith.muli %mul3A_61, %scan3A_42 : i32
        %add3A_63 = arith.constant 1 : i32
        %add3A_64 = arith.addi %mul3A_62, %add3A_63 : i32
        %dma_wait3A_65 = arith.constant 1 : i32
        %dma_wait3A_66 = arith.constant 0 : i32
        %dma_wait3A_67 = arith.constant 0 : i32
        %dma_wait3A_68 = tpu.memref_slice %arg9[%dma_wait3A_65, %dma_wait3A_66, %dma_wait3A_67] : memref<2x128x128xf32, #tpu.memory_space<vmem>> -> memref<1x128x128xf32, #tpu.memory_space<vmem>>
        %dma_wait3A_69 = tpu.memref_squeeze %dma_wait3A_68 : memref<1x128x128xf32, #tpu.memory_space<vmem>> -> memref<128x128xf32, #tpu.memory_space<vmem>>
        %dma_wait3A_70 = arith.constant 0 : i32
        %dma_wait3A_71 = tpu.memref_slice %arg7[%add3A_64, %dma_wait3A_70] : memref<40x128xi32, #tpu.memory_space<vmem>> -> memref<1x128xi32, #tpu.memory_space<vmem>>
        %dma_wait3A_72 = tpu.memref_squeeze %dma_wait3A_71 : memref<1x128xi32, #tpu.memory_space<vmem>> -> memref<128xi32, #tpu.memory_space<vmem>>
        %dma_wait3A_73 = arith.constant 0 : i32
        %dma_wait3A_74 = arith.constant 0 : i32
        %dma_wait3A_75 = tpu.memref_slice %arg2[%dma_wait3A_73, %dma_wait3A_74] : memref<10000x128xf32, #tpu.memory_space<hbm>> -> memref<10000x128xf32, #tpu.memory_space<hbm>>
        tpu.wait_indirect_dma semaphore(%arg12 : memref<!tpu.dma_semaphore, #tpu.memory_space<semaphore_mem>>) src(%dma_wait3A_75 : memref<10000x128xf32, #tpu.memory_space<hbm>>) dst(%dma_wait3A_69 : memref<128x128xf32, #tpu.memory_space<vmem>>)
        %run_scoped3A_76 = arith.constant 1 : i32
        "tpu.region"() ({
          %run_scoped3A_84 = tpu.sem_alloc : memref<!tpu.dma_semaphore, #tpu.memory_space<semaphore_mem>>
          %dma_start3A_85 = arith.constant 0 : i32
          %dma_start3A_86 = arith.constant 0 : i32
          %dma_start3A_87 = tpu.memref_slice %arg9[%run_scoped3A_76, %dma_start3A_85, %dma_start3A_86] : memref<2x128x128xf32, #tpu.memory_space<vmem>> -> memref<1x128x128xf32, #tpu.memory_space<vmem>>
          %dma_start3A_88 = tpu.memref_squeeze %dma_start3A_87 : memref<1x128x128xf32, #tpu.memory_space<vmem>> -> memref<128x128xf32, #tpu.memory_space<vmem>>
          %dma_start3A_89 = arith.constant 0 : i32
          %dma_start3A_90 = tpu.memref_slice %arg8[%add3A_64, %dma_start3A_89] : memref<40x128xi32, #tpu.memory_space<vmem>> -> memref<1x128xi32, #tpu.memory_space<vmem>>
          %dma_start3A_91 = tpu.memref_squeeze %dma_start3A_90 : memref<1x128xi32, #tpu.memory_space<vmem>> -> memref<128xi32, #tpu.memory_space<vmem>>
          %dma_start3A_92 = arith.constant 0 : i32
          %dma_start3A_93 = arith.constant 0 : i32
          %dma_start3A_94 = tpu.memref_slice %arg10[%dma_start3A_92, %dma_start3A_93] : memref<10112x128xf32, #tpu.memory_space<vmem_shared>> -> memref<10112x128xf32, #tpu.memory_space<vmem_shared>>
          tpu.enqueue_indirect_dma source(%dma_start3A_88 : memref<128x128xf32, #tpu.memory_space<vmem>>) target(%dma_start3A_94 : memref<10112x128xf32, #tpu.memory_space<vmem_shared>>) offsets(%dma_start3A_91 : memref<128xi32, #tpu.memory_space<vmem>>) semaphore(%run_scoped3A_84 : memref<!tpu.dma_semaphore, #tpu.memory_space<semaphore_mem>>) {add = true}
          %dma_wait3A_95 = arith.constant 0 : i32
          %dma_wait3A_96 = arith.constant 0 : i32
          %dma_wait3A_97 = tpu.memref_slice %arg9[%run_scoped3A_76, %dma_wait3A_95, %dma_wait3A_96] : memref<2x128x128xf32, #tpu.memory_space<vmem>> -> memref<1x128x128xf32, #tpu.memory_space<vmem>>
          %dma_wait3A_98 = tpu.memref_squeeze %dma_wait3A_97 : memref<1x128x128xf32, #tpu.memory_space<vmem>> -> memref<128x128xf32, #tpu.memory_space<vmem>>
          %dma_wait3A_99 = arith.constant 0 : i32
          %dma_wait3A_100 = tpu.memref_slice %arg8[%add3A_64, %dma_wait3A_99] : memref<40x128xi32, #tpu.memory_space<vmem>> -> memref<1x128xi32, #tpu.memory_space<vmem>>
          %dma_wait3A_101 = tpu.memref_squeeze %dma_wait3A_100 : memref<1x128xi32, #tpu.memory_space<vmem>> -> memref<128xi32, #tpu.memory_space<vmem>>
          %dma_wait3A_102 = arith.constant 0 : i32
          %dma_wait3A_103 = arith.constant 0 : i32
          %dma_wait3A_104 = tpu.memref_slice %arg10[%dma_wait3A_102, %dma_wait3A_103] : memref<10112x128xf32, #tpu.memory_space<vmem_shared>> -> memref<10112x128xf32, #tpu.memory_space<vmem_shared>>
          tpu.wait_indirect_dma semaphore(%run_scoped3A_84 : memref<!tpu.dma_semaphore, #tpu.memory_space<semaphore_mem>>) src(%dma_wait3A_98 : memref<128x128xf32, #tpu.memory_space<vmem>>) dst(%dma_wait3A_104 : memref<10112x128xf32, #tpu.memory_space<vmem_shared>>)
          tpu.yield
        }) : () -> ()
        %add3A_77 = arith.constant 2 : i32
        %add3A_78 = arith.addi %add3A_64, %add3A_77 : i32
        %lt3A_79 = arith.constant 40 : i32
        %lt3A_80 = arith.cmpi slt, %add3A_78, %lt3A_79 : i32
        %convert_element_type3A_81 = arith.extui %lt3A_80 : i1 to i32
        %cond3A_82 = arith.constant 0 : i32
        %cond3A_83 = arith.cmpi ne, %convert_element_type3A_81, %cond3A_82 : i32
        scf.if %cond3A_83 {
          %add3A_84 = arith.constant 2 : i32
          %add3A_85 = arith.addi %add3A_64, %add3A_84 : i32
          %dma_start3A_86 = arith.constant 1 : i32
          %dma_start3A_87 = arith.constant 0 : i32
          %dma_start3A_88 = arith.constant 0 : i32
          %dma_start3A_89 = tpu.memref_slice %arg9[%dma_start3A_86, %dma_start3A_87, %dma_start3A_88] : memref<2x128x128xf32, #tpu.memory_space<vmem>> -> memref<1x128x128xf32, #tpu.memory_space<vmem>>
          %dma_start3A_90 = tpu.memref_squeeze %dma_start3A_89 : memref<1x128x128xf32, #tpu.memory_space<vmem>> -> memref<128x128xf32, #tpu.memory_space<vmem>>
          %dma_start3A_91 = arith.constant 0 : i32
          %dma_start3A_92 = tpu.memref_slice %arg7[%add3A_85, %dma_start3A_91] : memref<40x128xi32, #tpu.memory_space<vmem>> -> memref<1x128xi32, #tpu.memory_space<vmem>>
          %dma_start3A_93 = tpu.memref_squeeze %dma_start3A_92 : memref<1x128xi32, #tpu.memory_space<vmem>> -> memref<128xi32, #tpu.memory_space<vmem>>
          %dma_start3A_94 = arith.constant 0 : i32
          %dma_start3A_95 = arith.constant 0 : i32
          %dma_start3A_96 = tpu.memref_slice %arg2[%dma_start3A_94, %dma_start3A_95] : memref<10000x128xf32, #tpu.memory_space<hbm>> -> memref<10000x128xf32, #tpu.memory_space<hbm>>
          tpu.enqueue_indirect_dma source(%dma_start3A_96 : memref<10000x128xf32, #tpu.memory_space<hbm>>) target(%dma_start3A_90 : memref<128x128xf32, #tpu.memory_space<vmem>>) offsets(%dma_start3A_93 : memref<128xi32, #tpu.memory_space<vmem>>) semaphore(%arg12 : memref<!tpu.dma_semaphore, #tpu.memory_space<semaphore_mem>>)
        } else {
        }
      }
      %scan3A_41 = arith.constant 20 : i32
    }
    %scan3A_7 = arith.constant 2 : i32
    %barrier3A_8 = arith.constant 0 : index
    tpu.barrier barrier_id(%barrier3A_8)
    "tpu.region"() ({
      %run_scoped3A = tpu.sem_alloc : memref<!tpu.dma_semaphore, #tpu.memory_space<semaphore_mem>>
      %dma_start3A = arith.constant 0 : i32
      %dma_start3A_9 = tpu.memref_slice %arg6[%arg0, %mul3A_2, %dma_start3A] : memref<2x10112x128xf32, #tpu.memory_space<hbm>> -> memref<1x632x128xf32, #tpu.memory_space<hbm>>
      %dma_start3A_10 = tpu.memref_squeeze %dma_start3A_9 : memref<1x632x128xf32, #tpu.memory_space<hbm>> -> memref<632x128xf32, #tpu.memory_space<hbm>>
      %dma_start3A_11 = arith.constant 0 : i32
      %dma_start3A_12 = tpu.memref_slice %arg10[%mul3A_2, %dma_start3A_11] : memref<10112x128xf32, #tpu.memory_space<vmem_shared>> -> memref<632x128xf32, #tpu.memory_space<vmem_shared>>
      tpu.enqueue_dma source(%dma_start3A_12 : memref<632x128xf32, #tpu.memory_space<vmem_shared>>) target(%dma_start3A_10 : memref<632x128xf32, #tpu.memory_space<hbm>>) target_semaphore(%run_scoped3A : memref<!tpu.dma_semaphore, #tpu.memory_space<semaphore_mem>>)
      %dma_wait3A = arith.constant 0 : i32
      %dma_wait3A_13 = tpu.memref_slice %arg6[%arg0, %mul3A_2, %dma_wait3A] : memref<2x10112x128xf32, #tpu.memory_space<hbm>> -> memref<1x632x128xf32, #tpu.memory_space<hbm>>
      %dma_wait3A_14 = tpu.memref_squeeze %dma_wait3A_13 : memref<1x632x128xf32, #tpu.memory_space<hbm>> -> memref<632x128xf32, #tpu.memory_space<hbm>>
      %dma_wait3A_15 = arith.constant 0 : i32
      %dma_wait3A_16 = tpu.memref_slice %arg10[%mul3A_2, %dma_wait3A_15] : memref<10112x128xf32, #tpu.memory_space<vmem_shared>> -> memref<632x128xf32, #tpu.memory_space<vmem_shared>>
      tpu.wait_dma2 semaphore(%run_scoped3A : memref<!tpu.dma_semaphore, #tpu.memory_space<semaphore_mem>>) src(%dma_wait3A_16 : memref<632x128xf32, #tpu.memory_space<vmem_shared>>) dst(%dma_wait3A_14 : memref<632x128xf32, #tpu.memory_space<hbm>>)
      tpu.yield
    }) : () -> ()
    return
  }
}

module attributes {stable_mosaic.version = 14 : i64} {
  func.func @_proj_body(%arg0: i32, %arg1: memref<1000x128xf32, #tpu.memory_space<vmem>>, %arg2: memref<128x128xf32, #tpu.memory_space<vmem>>, %arg3: memref<1x128xf32, #tpu.memory_space<vmem>>, %arg4: memref<1000x128xf32, #tpu.memory_space<vmem>>) attributes {dimension_semantics = [#tpu.dimension_semantics<arbitrary>], iteration_bounds = array<i64: 10>, scalar_prefetch = 0 : i64, scratch_operands = 0 : i64, tpu.core_type = #tpu.core_type<tc>, window_params = [{transform_indices = @transform_0, window_bounds = array<i64: 1000, 128>}, {pipeline_mode = #tpu.pipeline_mode<synchronous>, transform_indices = @transform_1, window_bounds = array<i64: 128, 128>}, {pipeline_mode = #tpu.pipeline_mode<synchronous>, transform_indices = @transform_2, window_bounds = array<i64: 1, 128>}, {transform_indices = @transform_3, window_bounds = array<i64: 1000, 128>}]} {
    %get3A = arith.constant 0 : index
    %get3A_0 = arith.constant 0 : index
    %get3A_1 = vector.load %arg1[%get3A, %get3A_0] : memref<1000x128xf32, #tpu.memory_space<vmem>>, vector<1000x128xf32>
    %get3A_2 = arith.constant 0 : index
    %get3A_3 = arith.constant 0 : index
    %get3A_4 = vector.load %arg2[%get3A_2, %get3A_3] : memref<128x128xf32, #tpu.memory_space<vmem>>, vector<128x128xf32>
    %dot_general3A = arith.constant dense<0.000000e+00> : vector<1000x128xf32>
    %dot_general3A_5 = tpu.matmul %get3A_1, %get3A_4, %dot_general3A {dimension_numbers = #tpu.dot_dimension_numbers<[1], [0], [0], [1], [0, 0, 1, 1], [], []>, transpose_lhs_hint = false} : vector<1000x128xf32>, vector<128x128xf32>, vector<1000x128xf32> -> vector<1000x128xf32>
    %get3A_6 = arith.constant 0 : index
    %get3A_7 = arith.constant 0 : index
    %get3A_8 = vector.load %arg3[%get3A_6, %get3A_7] : memref<1x128xf32, #tpu.memory_space<vmem>>, vector<1x128xf32>
    %add3A = vector.broadcast %get3A_8 : vector<1x128xf32> to vector<1000x128xf32>
    %add3A_9 = arith.addf %dot_general3A_5, %add3A : vector<1000x128xf32>
    %mul3A = arith.mulf %add3A_9, %add3A_9 : vector<1000x128xf32>
    %reduce_sum3A = arith.constant dense<0.000000e+00> : vector<1000xf32>
    %reduce_sum3A_10 = vector.multi_reduction <add>, %mul3A, %reduce_sum3A [1] : vector<1000x128xf32> to vector<1000xf32>
    %broadcast_in_dim3A = vector.shape_cast %reduce_sum3A_10 : vector<1000xf32> to vector<1000x1xf32>
    %add3A_11 = arith.constant 1.000000e+00 : f32
    %add3A_12 = vector.broadcast %add3A_11 : f32 to vector<1000x1xf32>
    %add3A_13 = arith.addf %add3A_12, %broadcast_in_dim3A : vector<1000x1xf32>
    %sqrt3A = math.sqrt %add3A_13 : vector<1000x1xf32>
    %iota3A = tpu.iota {dimensions = array<i32: 1>} : vector<1000x128xi32>
    %eq3A = arith.constant 0 : i32
    %eq3A_14 = vector.broadcast %eq3A : i32 to vector<1000x128xi32>
    %eq3A_15 = arith.cmpi eq, %iota3A, %eq3A_14 : vector<1000x128xi32>
    %broadcast_in_dim3A_16 = vector.shape_cast %sqrt3A : vector<1000x1xf32> to vector<1000x1xf32>
    %broadcast_in_dim3A_17 = vector.broadcast %broadcast_in_dim3A_16 : vector<1000x1xf32> to vector<1000x128xf32>
    %select_n3A = arith.select %eq3A_15, %broadcast_in_dim3A_17, %add3A_9 : vector<1000x128xi1>, vector<1000x128xf32>
    %swap3A = arith.constant 0 : index
    %swap3A_18 = arith.constant 0 : index
    %swap3A_19 = vector.load %arg4[%swap3A, %swap3A_18] : memref<1000x128xf32, #tpu.memory_space<vmem>>, vector<1000x128xf32>
    tpu.vector_store %arg4[%swap3A, %swap3A_18], %select_n3A {strides = array<i32>} : memref<1000x128xf32, #tpu.memory_space<vmem>>, vector<1000x128xf32>,
    return
  }
  func.func @transform_0(%arg0: i32) -> (i32, i32) {
    %c0_i32 = arith.constant 0 : i32
    %c0_i32_0 = arith.constant 0 : i32
    return %arg0, %c0_i32 : i32, i32
  }
  func.func @transform_1(%arg0: i32) -> (i32, i32) {
    %c0_i32 = arith.constant 0 : i32
    %c0_i32_0 = arith.constant 0 : i32
    %c0_i32_1 = arith.constant 0 : i32
    return %c0_i32, %c0_i32_0 : i32, i32
  }
  func.func @transform_2(%arg0: i32) -> (i32, i32) {
    %c0_i32 = arith.constant 0 : i32
    %c0_i32_0 = arith.constant 0 : i32
    %c0_i32_1 = arith.constant 0 : i32
    return %c0_i32, %c0_i32_0 : i32, i32
  }
  func.func @transform_3(%arg0: i32) -> (i32, i32) {
    %c0_i32 = arith.constant 0 : i32
    %c0_i32_0 = arith.constant 0 : i32
    return %arg0, %c0_i32 : i32, i32
  }
}

module attributes {stable_mosaic.version = 14 : i64} {
  func.func @_norm_body(%arg0: i32, %arg1: memref<1x1000x128xf32, #tpu.memory_space<vmem>>, %arg2: memref<1x1000x128xf32, #tpu.memory_space<vmem>>, %arg3: memref<1000x128xf32, #tpu.memory_space<vmem>>) attributes {dimension_semantics = [#tpu.dimension_semantics<arbitrary>], iteration_bounds = array<i64: 10>, scalar_prefetch = 0 : i64, scratch_operands = 0 : i64, tpu.core_type = #tpu.core_type<tc>, window_params = [{transform_indices = @transform_0, window_bounds = array<i64: 1, 1000, 128>}, {transform_indices = @transform_1, window_bounds = array<i64: 1, 1000, 128>}, {transform_indices = @transform_2, window_bounds = array<i64: 1000, 128>}]} {
    %get3A = arith.constant 0 : index
    %get3A_0 = arith.constant 0 : index
    %get3A_1 = arith.constant 0 : index
    %get3A_2 = vector.load %arg1[%get3A, %get3A_0, %get3A_1] : memref<1x1000x128xf32, #tpu.memory_space<vmem>>, vector<1x1000x128xf32>
    %get3A_3 = vector.shape_cast %get3A_2 : vector<1x1000x128xf32> to vector<1000x128xf32>
    %get3A_4 = arith.constant 0 : index
    %get3A_5 = arith.constant 0 : index
    %get3A_6 = arith.constant 0 : index
    %get3A_7 = vector.load %arg2[%get3A_4, %get3A_5, %get3A_6] : memref<1x1000x128xf32, #tpu.memory_space<vmem>>, vector<1x1000x128xf32>
    %get3A_8 = vector.shape_cast %get3A_7 : vector<1x1000x128xf32> to vector<1000x128xf32>
    %add3A = arith.addf %get3A_3, %get3A_8 : vector<1000x128xf32>
    %slice3A = vector.extract_strided_slice %add3A {offsets = [0, 0], sizes = [1000, 1], strides = [1, 1]} : vector<1000x128xf32> to vector<1000x1xf32>
    %mul3A = arith.mulf %add3A, %add3A : vector<1000x128xf32>
    %reduce_sum3A = arith.constant dense<0.000000e+00> : vector<1000xf32>
    %reduce_sum3A_9 = vector.multi_reduction <add>, %mul3A, %reduce_sum3A [1] : vector<1000x128xf32> to vector<1000xf32>
    %broadcast_in_dim3A = vector.shape_cast %reduce_sum3A_9 : vector<1000xf32> to vector<1000x1xf32>
    %mul3A_10 = arith.constant 2.000000e+00 : f32
    %mul3A_11 = vector.broadcast %mul3A_10 : f32 to vector<1000x1xf32>
    %mul3A_12 = arith.mulf %mul3A_11, %slice3A : vector<1000x1xf32>
    %mul3A_13 = arith.mulf %mul3A_12, %slice3A : vector<1000x1xf32>
    %sub3A = arith.subf %mul3A_13, %broadcast_in_dim3A : vector<1000x1xf32>
    %max3A = arith.constant 9.99999993E-9 : f32
    %max3A_14 = vector.broadcast %max3A : f32 to vector<1000x1xf32>
    %max3A_15 = arith.maximumf %sub3A, %max3A_14 : vector<1000x1xf32>
    %sqrt3A = math.sqrt %max3A_15 : vector<1000x1xf32>
    %sqrt3A_16 = arith.constant 1.000000e+00 : f32
    %sqrt3A_17 = math.sqrt %sqrt3A_16 : f32
    %div3A = vector.broadcast %sqrt3A_17 : f32 to vector<1000x1xf32>
    %div3A_18 = arith.divf %div3A, %sqrt3A : vector<1000x1xf32>
    %mul3A_19 = vector.broadcast %div3A_18 : vector<1000x1xf32> to vector<1000x128xf32>
    %mul3A_20 = arith.mulf %mul3A_19, %add3A : vector<1000x128xf32>
    %max3A_21 = arith.constant 0.000000e+00 : f32
    %max3A_22 = vector.broadcast %max3A_21 : f32 to vector<1000x128xf32>
    %max3A_23 = arith.maximumf %mul3A_20, %max3A_22 : vector<1000x128xf32>
    %slice3A_24 = vector.extract_strided_slice %max3A_23 {offsets = [0, 0], sizes = [1000, 1], strides = [1, 1]} : vector<1000x128xf32> to vector<1000x1xf32>
    %mul3A_25 = arith.mulf %max3A_23, %max3A_23 : vector<1000x128xf32>
    %reduce_sum3A_26 = arith.constant dense<0.000000e+00> : vector<1000xf32>
    %reduce_sum3A_27 = vector.multi_reduction <add>, %mul3A_25, %reduce_sum3A_26 [1] : vector<1000x128xf32> to vector<1000xf32>
    %broadcast_in_dim3A_28 = vector.shape_cast %reduce_sum3A_27 : vector<1000xf32> to vector<1000x1xf32>
    %add3A_29 = arith.constant 1.000000e+00 : f32
    %add3A_30 = vector.broadcast %add3A_29 : f32 to vector<1000x1xf32>
    %add3A_31 = arith.addf %add3A_30, %broadcast_in_dim3A_28 : vector<1000x1xf32>
    %mul3A_32 = arith.mulf %slice3A_24, %slice3A_24 : vector<1000x1xf32>
    %sub3A_33 = arith.subf %add3A_31, %mul3A_32 : vector<1000x1xf32>
    %sqrt3A_34 = math.sqrt %sub3A_33 : vector<1000x1xf32>
    %iota3A = tpu.iota {dimensions = array<i32: 1>} : vector<1000x128xi32>
    %eq3A = arith.constant 0 : i32
    %eq3A_35 = vector.broadcast %eq3A : i32 to vector<1000x128xi32>
    %eq3A_36 = arith.cmpi eq, %iota3A, %eq3A_35 : vector<1000x128xi32>
    %broadcast_in_dim3A_37 = vector.shape_cast %sqrt3A_34 : vector<1000x1xf32> to vector<1000x1xf32>
    %broadcast_in_dim3A_38 = vector.broadcast %broadcast_in_dim3A_37 : vector<1000x1xf32> to vector<1000x128xf32>
    %select_n3A = arith.select %eq3A_36, %broadcast_in_dim3A_38, %max3A_23 : vector<1000x128xi1>, vector<1000x128xf32>
    %swap3A = arith.constant 0 : index
    %swap3A_39 = arith.constant 0 : index
    %swap3A_40 = vector.load %arg3[%swap3A, %swap3A_39] : memref<1000x128xf32, #tpu.memory_space<vmem>>, vector<1000x128xf32>
    tpu.vector_store %arg3[%swap3A, %swap3A_39], %select_n3A {strides = array<i32>} : memref<1000x128xf32, #tpu.memory_space<vmem>>, vector<1000x128xf32>,
    return
  }
  func.func @transform_0(%arg0: i32) -> (i32, i32, i32) {
    %c0_i32 = arith.constant 0 : i32
    %c0_i32_0 = arith.constant 0 : i32
    %c0_i32_1 = arith.constant 0 : i32
    return %c0_i32, %arg0, %c0_i32_0 : i32, i32, i32
  }
  func.func @transform_1(%arg0: i32) -> (i32, i32, i32) {
    %c1_i32 = arith.constant 1 : i32
    %c0_i32 = arith.constant 0 : i32
    %c0_i32_0 = arith.constant 0 : i32
    return %c1_i32, %arg0, %c0_i32 : i32, i32, i32
  }
  func.func @transform_2(%arg0: i32) -> (i32, i32) {
    %c0_i32 = arith.constant 0 : i32
    %c0_i32_0 = arith.constant 0 : i32
    return %arg0, %c0_i32 : i32, i32
  }
}

</mosaic_0001>

<sc_bundles>
// kernel: kernel.5.cloned.1.call-start
scs
__scs_entry_jumppad:
0x0: {  	(pc) =	sbr.rel $0x88, $3  }
0x1: {  	(tag) =	ssettag $0x0;
	lr =	simm.s32 $0x1  }
0x2: {  	[smem:$0x3F9D] =	sst lr;
	_ =	strace $0xD0000000  }
0x3: {  	_ = 	snop  }
0x4: {  	_ = 	snop  }
0x5: {  	_ = 	snop  }
0x6: {  	_ = 	snop  }
0x7: {  	_ = 	snop  }
__scs_overlays_trampoline_lowered:
0x8: {  	[smem:$0x3FAC] =	sst s0  }
0x9: {  	[smem:$0x3FAD] =	sst s1  }
0xa: {  	[smem:$0x3FAE] =	sst s2  }
0xb: {  	[smem:$0x3FAF] =	sst s3  }
0xc: {  	[smem:$0x3FB0] =	sst s4  }
0xd: {  	[smem:$0x3FB1] =	sst s5  }
0xe: {  	[smem:$0x3FB2] =	sst s6  }
0xf: {  	[smem:$0x3FB3] =	sst s7  }
0x10: {  	[smem:$0x3FB4] =	sst s8  }
0x11: {  	[smem:$0x3FB5] =	sst s9;
	s0 =	simm.s32 @!p0 $0x0  }
0x12: {  	s1 =	sld [smem:$0x3F9B];
	s0 =	simm.s32 @p0 $0x1  }
0x13: {  	[smem:$0x3FB6] =	sst s0;
	s0 =	simm.s32 @!p1 $0x0  }
0x14: {  	s2 =	sld [smem:$0x3F9A];
	s0 =	simm.s32 @p1 $0x1  }
0x15: {  	[smem:$0x3FB7] =	sst s0;
	s0 =	simm.s32 @!p2 $0x0  }
0x16: {  	s3 =	sld [smem:$0x3FDB];
	s0 =	simm.s32 @p2 $0x1  }
0x17: {  	s4 =	simm.s32 $0x1BF5;
	[smem:$0x3FB9] =	sst s0  }
0x18: {  	s0 =	sld [smem:$0x3F9C];
	_ =	swait.ge [sflag:s4], $0x0  }
0x19: {  	s7 =	sld [smem:$0x3F9D]  }
0x1a: {  	s8 =	sadd.s32 $0xFFFFE003, lr  }
0x1b: {  	s9 =	sadd.s32 $0xFFFFFEF7, lr;
	s5 =	simm.s32 $0xFFFFFFFF;
	p2 =	slt.u32 s8, $0xFFFFF086  }
0x1c: {  	p1 =	slt.u32 s9, $0xF7A;
	s5 =	simm.s32 @!p2 $0x0  }
0x1d: {  	s5 =	simm.s32 @p1 $0x1;
	p0 =	seq.s32 s7, s2  }
0x1e: {  	s7 =	smul.u32 @!p0 $0xF7A, s2;
	p2 =	seq.s32 @!p0 s5, $0x0  }
0x1f: {  	s9 =	smul.u32 $0xF7A, s1;
	s8 =	simm.s32 @!p0 $0x1BF5;
	p2 =	por !p2, p0  }
0x20: {  	[sflag:s8] =	ssyncset.s32 @!p0 $0xFFFFF086;
	s6 =	sadd.s32 @!p0 s3, s7;
	s7 =	simm.s32 @!p0 $0x108  }
0x21: {  	s3 =	sadd.s32 s3, s9;
	s6 =	sadd.s32 @!p0 $0x88, s6;
	s7 =	simm.s32 @p2 $0x1082  }
0x22: {  	[simem:s7], [sflag:s8] =	dma.local @!p0 [hbm:s6], $0xF7A  }
0x23: {  	s9 =	sor.u32 $0xD0000000, s2;
	s6 =	simm.s32 $0x108;
	_ =	swait.ge @!p0 [sflag:s8], $0x0  }
0x24: {  	s3 =	sadd.s32 $0x88, s3;
	s6 =	simm.s32 @!p1 $0x1082;
	[sflag:s4] =	ssyncset.s32 $0xFFFFF086  }
0x25: {  	[simem:s6], [sflag:s4] =	dma.local [hbm:s3], $0xF7A  }
0x26: {  	[smem:$0x3F9D] =	sst s1;
	(tag) =	ssettag s2;
	_ =	strace s9  }
0x27: {  	s1 =	sld [smem:$0x3FAD]  }
0x28: {  	s2 =	sld [smem:$0x3FAE]  }
0x29: {  	s4 =	sld [smem:$0x3FB0]  }
0x2a: {  	p0 =	seq.s32 s5, $0x0;
	s5 =	sld [smem:$0x3FB1]  }
0x2b: {  	s6 =	sld [smem:$0x3FB2]  }
0x2c: {  	s7 =	sld [smem:$0x3FB3]  }
0x2d: {  	s3 =	simm.s32 $0x108;
	s8 =	sld [smem:$0x3FB4]  }
0x2e: {  	s3 =	simm.s32 @!p0 $0x1082;
	s9 =	sld [smem:$0x3FB5]  }
0x2f: {  	lr =	sadd.s32 s0, s3;
	s0 =	sld [smem:$0x3FAC]  }
0x30: {  	s3 =	sld [smem:$0x3FAF]  }
0x31: {  	[smem:$0x3FB8] =	sst s10  }
0x32: {  	s10 =	sld [smem:$0x3FB6];
	_ =	sdelay $0x3  }
0x33: {  	p0 =	seq.s32 s10, $0x1;
	s10 =	sld [smem:$0x3FB8];
	_ =	sdelay $0x3  }
0x34: {  	[smem:$0x3FB8] =	sst s10  }
0x35: {  	s10 =	sld [smem:$0x3FB7];
	_ =	sdelay $0x3  }
0x36: {  	p1 =	seq.s32 s10, $0x1;
	s10 =	sld [smem:$0x3FB8];
	_ =	sdelay $0x3  }
0x37: {  	[smem:$0x3FB8] =	sst s10  }
0x38: {  	s10 =	sld [smem:$0x3FB9]  }
0x39: {  	_ = 	snop;
	(pc) =	sbr.ind lr, $3  }
0x3a: {  	_ = 	snop  }
0x3b: {  	_ = 	snop  }
0x3c: {  	p2 =	seq.s32 s10, $0x1;
	s10 =	sld [smem:$0x3FB8]  }
0x3d: {  	_ =	shalt  }
0x3e: {  	_ =	shalt  }
0x3f: {  	_ =	shalt  }
0x40: {  	_ =	shalt  }
0x41: {  	_ =	shalt  }
0x42: {  	_ =	shalt  }
0x43: {  	_ =	shalt  }
0x44: {  	_ =	shalt  }
0x45: {  	_ =	shalt  }
0x46: {  	_ =	shalt  }
0x47: {  	_ =	shalt  }
0x48: {  	_ =	shalt  }
0x49: {  	_ =	shalt  }
0x4a: {  	_ =	shalt  }
0x4b: {  	_ =	shalt  }
0x4c: {  	_ =	shalt  }
0x4d: {  	_ =	shalt  }
0x4e: {  	_ =	shalt  }
0x4f: {  	_ =	shalt  }
0x50: {  	_ =	shalt  }
0x51: {  	_ =	shalt  }
0x52: {  	_ =	shalt  }
0x53: {  	_ =	shalt  }
0x54: {  	_ =	shalt  }
0x55: {  	_ =	shalt  }
0x56: {  	_ =	shalt  }
0x57: {  	_ =	shalt  }
0x58: {  	_ =	shalt  }
0x59: {  	_ =	shalt  }
0x5a: {  	_ =	shalt  }
0x5b: {  	_ =	shalt  }
0x5c: {  	_ =	shalt  }
0x5d: {  	_ =	shalt  }
0x5e: {  	_ =	shalt  }
0x5f: {  	_ =	shalt  }
0x60: {  	_ =	shalt  }
0x61: {  	_ =	shalt  }
0x62: {  	_ =	shalt  }
0x63: {  	_ =	shalt  }
0x64: {  	_ =	shalt  }
0x65: {  	_ =	shalt  }
0x66: {  	_ =	shalt  }
0x67: {  	_ =	shalt  }
0x68: {  	_ =	shalt  }
0x69: {  	_ =	shalt  }
0x6a: {  	_ =	shalt  }
0x6b: {  	_ =	shalt  }
0x6c: {  	_ =	shalt  }
0x6d: {  	_ =	shalt  }
0x6e: {  	_ =	shalt  }
0x6f: {  	_ =	shalt  }
0x70: {  	_ =	shalt  }
0x71: {  	_ =	shalt  }
0x72: {  	_ =	shalt  }
0x73: {  	_ =	shalt  }
0x74: {  	_ =	shalt  }
0x75: {  	_ =	shalt  }
0x76: {  	_ =	shalt  }
0x77: {  	_ =	shalt  }
0x78: {  	_ =	shalt  }
0x79: {  	_ =	shalt  }
0x7a: {  	_ =	shalt  }
0x7b: {  	_ =	shalt  }
0x7c: {  	_ =	shalt  }
0x7d: {  	_ =	shalt  }
0x7e: {  	_ =	shalt  }
0x7f: {  	_ =	shalt  }
0x80: {  	_ =	shalt  }
0x81: {  	_ =	shalt  }
0x82: {  	_ =	shalt  }
0x83: {  	_ =	shalt  }
0x84: {  	_ =	shalt  }
0x85: {  	_ =	shalt  }
0x86: {  	_ =	shalt  }
0x87: {  	_ =	shalt  }
.Lfunc_end0:
.L_simem_size_0:
called_computation_lowered:
.L_overlay_start_0:
0x88: {  	s2 =	sld [smem:$0x3FD9]  }
0x89: {  	s3 =	sld [smem:$0x3FFE];
	_ =	sdelay $0x1  }
0x8a: {  	s1 =	srdreg.scid  }
0x8b: {  	s0 =	sand.u32 $0x1, s1  }
0x8c: {  	s14 =	sshll.u32 s0, $0xA;
	s2 =	sadd.s32 s3, s2  }
0x8d: {  	s2 =	sadd.s32 s2, s14  }
0x8e: {  	[smem:$0x3FC4] =	sst s2  }
0x8f: {  	_ = 	snop  }
0x90: {  	s2 =	sld [smem:$0x3FD0];
	_ =	sdelay $0x2  }
0x91: {  	s15 =	simm.s32 $0xA;
	s4 =	simm.s32 $0x10  }
0x92: {  	[smem:s4], [sflag:s15] =	dma.local [hbm:s2], $0x1  }
0x93: {  	_ =	swait.eq [sflag:s15], $0x1  }
0x94: {  	[sflag:s15] =	ssyncset.done $0x0  }
0x95: {  	s16 =	sld [smem:$0x10];
	[sflag:s15] =	ssyncadd.s32 $0xFFFFFFFF  }
0x96: {  	s17 =	sld [smem:$0x11];
	(tm) =	ssettm $0x1  }
0x97: {  	s18 =	sld [smem:$0x3FFB];
	_ =	sdelay $0x3  }
0x98: {  	_ =	strace s18  }
0x99: {  	s4 =	sld [smem:$0x3FFC];
	_ =	sdelay $0x3  }
0x9a: {  	_ =	strace s4  }
0x9b: {  	s4 =	sld [smem:$0x3FFD];
	_ =	sdelay $0x3  }
0x9c: {  	_ =	strace s4  }
0x9d: {  	_ =	strace $0x8FFFFFFF  }
0x9e: {  	s19 =	sld [smem:$0x3FDB];
	_ =	sdelay $0x1  }
0x9f: {  	s5 =	simm.s32 $_scs_section_size  }
0xa0: {  	s6 =	simm.s32 $_size__tile_overlayer_lowered;
	s7 =	simm.s32 $_tile_overlayer_lowered  }
0xa1: {  	s22 =	simm.s32 $0x1BFF;
	s21 =	sshll.u32 s7, $0x1;
	s4 =	sadd.s32 s5, s19  }
0xa2: {  	s8 =	simm.s32 $0x0;
	s20 =	sshll.u32 s6, $0x1;
	s6 =	sadd.s32 s21, s4  }
0xa3: {  	[timem:s8], [sflag:s22] =	dma.local [hbm:s6], s20  }
0xa4: {  	_ =	swait.ge [sflag:s22], s20  }
0xa5: {  	s5 =	ssub.s32 $0x0, s20;
	[sflag:s22] =	ssyncset.done $0x0  }
0xa6: {  	[sflag:s22] =	ssyncadd.s32 s5;
	_ =	sdelay $0x1  }
0xa7: {  	s23 =	simm.s32 $0x1B8B  }
0xa8: {  	_ =	swait.ge [sflag:s23], $0x1  }
0xa9: {  	[sflag:s23] =	ssyncset.done $0x0  }
0xaa: {  	s25 =	simm.s32 $0x1B8E;
	s24 =	sld [smem:$0x3FFE];
	[sflag:s23] =	ssyncadd.s32 $0xFFFFFFFF  }
0xab: {  	s26 =	simm.s32 $execute0_lowered;
	[smem:$0x3FD2] =	sst s25  }
0xac: {  	s6 =	sshll.u32 s26, $0x1;
	_ =	strace $0x80000046;
	[dreg:$0x1] =	wrdreg $0xFFFFFFFF  }
0xad: {  	s28 =	simm.s32 $_size_execute0_lowered;
	s4 =	sadd.s32 s4, s6;
	[dreg:$0x0] =	wrdreg $0x0  }
0xae: {  	s6 =	sshll.u32 s28, $0x1;
	[dreg:$0x2] =	wrdreg s4  }
0xaf: {  	[dreg:$0x3] =	wrdreg s6  }
0xb0: {  	[dreg:$0x4] =	wrdreg $0xC0  }
0xb1: {  	_ =	task [dreg:s8], $0x5FFFF  }
0xb2: {  	[dreg:$0x1] =	wrdreg $0xFFFFFFFF  }
0xb3: {  	[dreg:$0x0] =	wrdreg $0x60  }
0xb4: {  	[dreg:$0x2] =	wrdreg s16  }
0xb5: {  	[dreg:$0x3] =	wrdreg s24  }
0xb6: {  	[dreg:$0x4] =	wrdreg s17  }
0xb7: {  	[dreg:$0x5] =	wrdreg $0xA8000  }
0xb8: {  	[dreg:$0x6] =	wrdreg $0x9  }
0xb9: {  	_ =	task.clear_ibuf [dreg:s8], $0x7FFFF;
	_ =	strace $0x90000046  }
0xba: {  	s29 =	simm.s32 $0x9;
	_ =	strace $0x80000048  }
0xbb: {  	_ =	swait.ge [sflag:s29], $0x1  }
0xbc: {  	[sflag:s29] =	ssyncadd.s32 $0xFFFFFFFF  }
0xbd: {  	_ =	strace $0x90000048  }
0xbe: {  	_ =	sfence  }
0xbf: {  	s30 =	sld [smem:$0x0];
	_ =	sdelay $0x2  }
0xc0: {  	s31 =	sshll.u32 s1, $0xD;
	s1 =	sshrl.u32 s1, $0x2  }
0xc1: {  	s3 =	sand.u32 $0x4000, s31;
	s1 =	sadd.s32 s1, s30  }
0xc2: {  	s0 =	sor.u32 s3, s0;
	s1 =	sshll.u32 s1, $0x11  }
0xc3: {  	s0 =	sor.u32 s1, s0  }
0xc4: {  	s0 =	sadd.s32 $0x8F2B, s0  }
0xc5: {  	[sflag:s0] =	ssyncadd.remote.s32 $0x1  }
0xc6: {  	_ =	sfence.sel $0xFFFF  }
0xc7: {  	[dreg:$0x0] =	wrdreg $0xFFFFFFFF;
	(pc) =	sbr.abs _section_cstart, $3  }
0xc8: {  	[dreg:$0x1] =	wrdreg $0xFFFFFFFF  }
0xc9: {  	_ =	task.clear_ibuf [dreg:s8], $0x2FFFF;
	_ =	strace $0x9FFFFFFF  }
0xca: {  	(tm) =	ssettm $0x7FFFFFFF  }
0xcb: {  	_ =	shalt  }
tec
execute0_lowered:
.L_overlay_start_1:
0x0: {  	(tag) =	ssettag $0x1  }
0x1: {  	s1 =	rddreg [dreg:$0x0]  }
0x2: {  	s5 =	rddreg [dreg:$0x1]  }
0x3: {  	s12 =	rddreg [dreg:$0x2]  }
0x4: {  	s3 =	rddreg [dreg:$0x3]  }
0x5: {  	s0 =	rddreg [dreg:$0x4]  }
0x6: {  	s2 =	stileid.u32;
	s6 =	srdreg.scid;
	s4 =	simm.s32 $0x0  }
0x7: {  	s15 =	simm.s32 $0x1400;
	s16 =	simm.s32 $0x80;
	s17 =	simm.s32 $0x2800  }
0x8: {  	s18 =	simm.s32 $0x6800;
	s19 =	simm.s32 $0x1;
	s20 =	simm.s32 $0x2  }
0x9: {  	s21 =	simm.s32 $0x2700;
	s22 =	simm.s32 $0x2780;
	s23 =	simm.s32 $0x0  }
0xa: {  	s7 =	smul.u32 $0x13C00, s2;
	s6 =	sand.u32 $0x1, s6;
	[smem:$0x7FF] =	sst s4  }
0xb: {  	s11 =	sadd.s32 $0x1000, s5;
	s10 =	smul.u32 $0x4F000, s2;
	s30 =	sshll.u32 s2, $0x6  }
0xc: {  	s8 =	smul.u32 $0x13C000, s6;
	_ =	strace $0x80000047;
	s25 =	sshll.u32 s6, $0x4  }
0xd: {  	s26 =	ssub.s32 $0x2, s6;
	s6 =	sor.u32 $0x1C03, s30;
	s9 =	sshrl.u32 s7, $0x3  }
0xe: {  	s28 =	sor.u32 s2, s25;
	s29 =	sshrl.u32 s26, $0x1;
	s10 =	sshrl.u32 s10, $0x2  }
0xf: {  	s9 =	sadd.s32 s9, s5;
	s7 =	sadd.s32 s7, s8;
	s13 =	smul.u32 $0x2800, s28  }
0x10: {  	s8 =	ssub.s32 s26, s29;
	s14 =	sadd.s32 s10, s3;
	s7 =	sshrl.u32 s7, $0x3  }
0x11: {  	s8 =	smax.u32 s8, $0x1;
	s7 =	sadd.s32 s7, s5;
	s31 =	sshrl.u32 s13, $0x3  }
0x12: {  	s5 =	sadd.s32 $0xB000, s9;
	s7 =	sadd.s32 $0x32800, s7;
	s13 =	sadd.s32 $0x280, s31  }
0x13: {  	s9 =	sadd.s32 s11, s31;
	s10 =	sadd.s32 s12, s31;
	s11 =	sadd.s32 s11, s13  }
0x14: {  	s12 =	sadd.s32 s12, s13;
	s13 =	sshrl.u32 s14, $0x3;
	s14 =	simm.s32 $0x3  }
.LBB2_1:
0x15: {  	[spmem:s13], [sflag:s6] =	dma.local [hbm:s5], $0x2780  }
0x16: {  	_ =	swait.ge [sflag:s14], $0x2780  }
0x17: {  	[sflag:s14] =	ssyncset.done $0x0  }
0x18: {  	[sflag:s14] =	ssyncadd.s32 $0xFFFFD880  }
0x19: {  	[bflag:$0x0] =	sbarrier.arrive $0xFFFF  }
0x1a: {  	[tilespmem:s4], [sflag:$0x3] =	stream.linear.gather [hbm4b:s9+s4], $0x1400, $0x38;
	[tilespmem:$0x1E400] =	vst v63  }
0x1b: {  	_ =	swait.ge [sflag:s14], $0x1400  }
0x1c: {  	[sflag:s14] =	ssyncset.done $0x0  }
0x1d: {  	[sflag:s14] =	ssyncadd.s32 $0xFFFFEC00  }
0x1e: {  	[tilespmem:s15], [sflag:$0x3] =	stream.linear.gather [hbm4b:s10+s4], $0x1400, $0x38;
	[tilespmem:$0x1E400] =	vst v63  }
0x1f: {  	_ =	swait.ge [sflag:s14], $0x1400  }
0x20: {  	[sflag:s14] =	ssyncset.done $0x0  }
0x21: {  	[sflag:s14] =	ssyncadd.s32 $0xFFFFEC00  }
0x22: {  	[tilespmem:s17], [sflag:$0x1] =	stream.indirect.gather [hbm4b:s1+s16], $0x80, s4, s16, $0xb8;
	[tilespmem:$0x1E400] =	vst v63  }
0x23: {  	_ = 	snop  }
0x24: {  	[tilespmem:s18], [sflag:$0x2] =	stream.indirect.gather [hbm4b:s1+s16], $0x80, s16, s16, $0xb8;
	[tilespmem:$0x1E400] =	vst v63  }
0x25: {  	_ =	swait.ge [sflag:s19], $0x4000  }
0x26: {  	[sflag:s19] =	ssyncset.done $0x0  }
0x27: {  	s24 =	simm.s32 $0x1400;
	[sflag:s19] =	ssyncadd.s32 $0xFFFFC000  }
0x28: {  	[spmem:s3] =	stream.indirect.scatter.add.f32 [tilespmem:s17], [sflag:$0x3], $0x80, s24, s16, $0xb8;
	[tilespmem:$0x1E400] =	vst v63  }
0x29: {  	_ =	swait.ge [sflag:s14], $0x4000  }
0x2a: {  	[sflag:s14] =	ssyncset.done $0x0  }
0x2b: {  	s30 =	simm.s32 $0x100;
	[sflag:s14] =	ssyncadd.s32 $0xFFFFC000  }
0x2c: {  	[tilespmem:s17], [sflag:$0x1] =	stream.indirect.gather [hbm4b:s1+s16], $0x80, s30, s16, $0xb8;
	[tilespmem:$0x1E400] =	vst v63  }
0x2d: {  	_ =	swait.ge [sflag:s20], $0x4000  }
0x2e: {  	[sflag:s20] =	ssyncset.done $0x0  }
0x2f: {  	s31 =	simm.s32 $0x1480;
	[sflag:s20] =	ssyncadd.s32 $0xFFFFC000  }
0x30: {  	[spmem:s3] =	stream.indirect.scatter.add.f32 [tilespmem:s18], [sflag:$0x3], $0x80, s31, s16, $0xb8;
	[tilespmem:$0x1E400] =	vst v63  }
0x31: {  	_ =	swait.ge [sflag:s14], $0x4000  }
0x32: {  	[sflag:s14] =	ssyncset.done $0x0  }
0x33: {  	s25 =	simm.s32 $0x180;
	s24 =	simm.s32 $0x400;
	[sflag:s14] =	ssyncadd.s32 $0xFFFFC000  }
.LBB2_2:
0x34: {  	[tilespmem:s18], [sflag:$0x2] =	stream.indirect.gather [hbm4b:s1+s16], $0x80, s25, s16, $0xb8;
	[tilespmem:$0x1E400] =	vst v63  }
0x35: {  	s25 =	smov.u32 s24  }
0x36: {  	p0 =	sne.s32 s24, $0x4800;
	s24 =	sadd.s32 $0x400, s24;
	_ =	swait.ge [sflag:s19], $0x4000  }
0x37: {  	s25 =	sshra.s32 s25, $0x2;
	[sflag:s19] =	ssyncset.done $0x0  }
0x38: {  	s26 =	sadd.s32 $0x1400, s25;
	[sflag:s19] =	ssyncadd.s32 $0xFFFFC000  }
0x39: {  	[spmem:s3] =	stream.indirect.scatter.add.f32 [tilespmem:s17], [sflag:$0x3], $0x80, s26, s16, $0xb8;
	[tilespmem:$0x1E400] =	vst v63  }
0x3a: {  	_ =	swait.ge [sflag:s14], $0x4000  }
0x3b: {  	[sflag:s14] =	ssyncset.done $0x0  }
0x3c: {  	s26 =	sadd.s32 $0x100, s25;
	[sflag:s14] =	ssyncadd.s32 $0xFFFFC000  }
0x3d: {  	[tilespmem:s17], [sflag:$0x1] =	stream.indirect.gather [hbm4b:s1+s16], $0x80, s26, s16, $0xb8;
	[tilespmem:$0x1E400] =	vst v63  }
0x3e: {  	_ =	swait.ge [sflag:s20], $0x4000  }
0x3f: {  	[sflag:s20] =	ssyncset.done $0x0  }
.Ltmp0:
0x40: {  	s26 =	sadd.s32 $0x1480, s25;
	[sflag:s20] =	ssyncadd.s32 $0xFFFFC000;
	(pc) =	sbr.rel @p0 .LBB2_2-.Ltmp0, $4  }
0x41: {  	[spmem:s3] =	stream.indirect.scatter.add.f32 [tilespmem:s18], [sflag:$0x3], $0x80, s26, s16, $0xb8;
	[tilespmem:$0x1E400] =	vst v63  }
0x42: {  	_ =	swait.ge [sflag:s14], $0x4000  }
0x43: {  	[sflag:s14] =	ssyncset.done $0x0  }
0x44: {  	s25 =	sadd.s32 $0x180, s25;
	[sflag:s14] =	ssyncadd.s32 $0xFFFFC000  }
0x45: {  	[tilespmem:s18], [sflag:$0x2] =	stream.indirect.gather [hbm4b:s1+s16], $0x80, s25, s16, $0xb8;
	[tilespmem:$0x1E400] =	vst v63  }
0x46: {  	_ =	swait.ge [sflag:s19], $0x4000  }
0x47: {  	[sflag:s19] =	ssyncset.done $0x0  }
0x48: {  	[sflag:s19] =	ssyncadd.s32 $0xFFFFC000  }
0x49: {  	[spmem:s3] =	stream.indirect.scatter.add.f32 [tilespmem:s17], [sflag:$0x3], $0x80, s21, s16, $0xb8;
	[tilespmem:$0x1E400] =	vst v63  }
0x4a: {  	_ =	swait.ge [sflag:s14], $0x4000  }
0x4b: {  	[sflag:s14] =	ssyncset.done $0x0  }
0x4c: {  	[sflag:s14] =	ssyncadd.s32 $0xFFFFC000  }
0x4d: {  	_ =	swait.ge [sflag:s20], $0x4000  }
0x4e: {  	[sflag:s20] =	ssyncset.done $0x0  }
0x4f: {  	[sflag:s20] =	ssyncadd.s32 $0xFFFFC000  }
0x50: {  	[spmem:s3] =	stream.indirect.scatter.add.f32 [tilespmem:s18], [sflag:$0x3], $0x80, s22, s16, $0xb8;
	[tilespmem:$0x1E400] =	vst v63  }
0x51: {  	_ =	swait.ge [sflag:s14], $0x4000  }
0x52: {  	[sflag:s14] =	ssyncset.done $0x0  }
0x53: {  	s24 =	simm.s32 $0x0;
	[sflag:s14] =	ssyncadd.s32 $0xFFFFC000  }
0x54: {  	[tilespmem:s24], [sflag:$0x3] =	stream.linear.gather [hbm4b:s11+s24], $0x1400, $0x38;
	[tilespmem:$0x1E400] =	vst v63  }
0x55: {  	_ =	swait.ge [sflag:s14], $0x1400  }
0x56: {  	[sflag:s14] =	ssyncset.done $0x0  }
0x57: {  	[sflag:s14] =	ssyncadd.s32 $0xFFFFEC00  }
0x58: {  	[tilespmem:s15], [sflag:$0x3] =	stream.linear.gather [hbm4b:s12+s24], $0x1400, $0x38;
	[tilespmem:$0x1E400] =	vst v63  }
0x59: {  	_ =	swait.ge [sflag:s14], $0x1400  }
0x5a: {  	[sflag:s14] =	ssyncset.done $0x0  }
0x5b: {  	[sflag:s14] =	ssyncadd.s32 $0xFFFFEC00  }
0x5c: {  	[tilespmem:s17], [sflag:$0x1] =	stream.indirect.gather [hbm4b:s1+s16], $0x80, s24, s16, $0xb8;
	[tilespmem:$0x1E400] =	vst v63  }
0x5d: {  	_ = 	snop  }
0x5e: {  	[tilespmem:s18], [sflag:$0x2] =	stream.indirect.gather [hbm4b:s1+s16], $0x80, s16, s16, $0xb8;
	[tilespmem:$0x1E400] =	vst v63  }
0x5f: {  	_ =	swait.ge [sflag:s19], $0x4000  }
0x60: {  	[sflag:s19] =	ssyncset.done $0x0  }
0x61: {  	s29 =	simm.s32 $0x1400;
	[sflag:s19] =	ssyncadd.s32 $0xFFFFC000  }
0x62: {  	[spmem:s3] =	stream.indirect.scatter.add.f32 [tilespmem:s17], [sflag:$0x3], $0x80, s29, s16, $0xb8;
	[tilespmem:$0x1E400] =	vst v63  }
0x63: {  	_ =	swait.ge [sflag:s14], $0x4000  }
0x64: {  	[sflag:s14] =	ssyncset.done $0x0  }
0x65: {  	s30 =	simm.s32 $0x100;
	[sflag:s14] =	ssyncadd.s32 $0xFFFFC000  }
0x66: {  	[tilespmem:s17], [sflag:$0x1] =	stream.indirect.gather [hbm4b:s1+s16], $0x80, s30, s16, $0xb8;
	[tilespmem:$0x1E400] =	vst v63  }
0x67: {  	_ =	swait.ge [sflag:s20], $0x4000  }
0x68: {  	[sflag:s20] =	ssyncset.done $0x0  }
0x69: {  	s31 =	simm.s32 $0x1480;
	[sflag:s20] =	ssyncadd.s32 $0xFFFFC000  }
0x6a: {  	[spmem:s3] =	stream.indirect.scatter.add.f32 [tilespmem:s18], [sflag:$0x3], $0x80, s31, s16, $0xb8;
	[tilespmem:$0x1E400] =	vst v63  }
0x6b: {  	_ =	swait.ge [sflag:s14], $0x4000  }
0x6c: {  	[sflag:s14] =	ssyncset.done $0x0  }
0x6d: {  	s25 =	simm.s32 $0x180;
	s24 =	simm.s32 $0x400;
	[sflag:s14] =	ssyncadd.s32 $0xFFFFC000  }
.LBB2_4:
0x6e: {  	[tilespmem:s18], [sflag:$0x2] =	stream.indirect.gather [hbm4b:s1+s16], $0x80, s25, s16, $0xb8;
	[tilespmem:$0x1E400] =	vst v63  }
0x6f: {  	s25 =	smov.u32 s24  }
0x70: {  	p0 =	sne.s32 s24, $0x4800;
	s24 =	sadd.s32 $0x400, s24;
	_ =	swait.ge [sflag:s19], $0x4000  }
0x71: {  	s25 =	sshra.s32 s25, $0x2;
	[sflag:s19] =	ssyncset.done $0x0  }
0x72: {  	s26 =	sadd.s32 $0x1400, s25;
	[sflag:s19] =	ssyncadd.s32 $0xFFFFC000  }
0x73: {  	[spmem:s3] =	stream.indirect.scatter.add.f32 [tilespmem:s17], [sflag:$0x3], $0x80, s26, s16, $0xb8;
	[tilespmem:$0x1E400] =	vst v63  }
0x74: {  	_ =	swait.ge [sflag:s14], $0x4000  }
0x75: {  	[sflag:s14] =	ssyncset.done $0x0  }
0x76: {  	s26 =	sadd.s32 $0x100, s25;
	[sflag:s14] =	ssyncadd.s32 $0xFFFFC000  }
0x77: {  	[tilespmem:s17], [sflag:$0x1] =	stream.indirect.gather [hbm4b:s1+s16], $0x80, s26, s16, $0xb8;
	[tilespmem:$0x1E400] =	vst v63  }
0x78: {  	_ =	swait.ge [sflag:s20], $0x4000  }
0x79: {  	[sflag:s20] =	ssyncset.done $0x0  }
.Ltmp1:
0x7a: {  	s26 =	sadd.s32 $0x1480, s25;
	[sflag:s20] =	ssyncadd.s32 $0xFFFFC000;
	(pc) =	sbr.rel @p0 .LBB2_4-.Ltmp1, $4  }
0x7b: {  	[spmem:s3] =	stream.indirect.scatter.add.f32 [tilespmem:s18], [sflag:$0x3], $0x80, s26, s16, $0xb8;
	[tilespmem:$0x1E400] =	vst v63  }
0x7c: {  	_ =	swait.ge [sflag:s14], $0x4000  }
0x7d: {  	[sflag:s14] =	ssyncset.done $0x0  }
0x7e: {  	s25 =	sadd.s32 $0x180, s25;
	[sflag:s14] =	ssyncadd.s32 $0xFFFFC000  }
0x7f: {  	[tilespmem:s18], [sflag:$0x2] =	stream.indirect.gather [hbm4b:s1+s16], $0x80, s25, s16, $0xb8;
	[tilespmem:$0x1E400] =	vst v63  }
0x80: {  	_ =	swait.ge [sflag:s19], $0x4000  }
0x81: {  	[sflag:s19] =	ssyncset.done $0x0  }
0x82: {  	[sflag:s19] =	ssyncadd.s32 $0xFFFFC000  }
0x83: {  	[spmem:s3] =	stream.indirect.scatter.add.f32 [tilespmem:s17], [sflag:$0x3], $0x80, s21, s16, $0xb8;
	[tilespmem:$0x1E400] =	vst v63  }
0x84: {  	_ =	swait.ge [sflag:s14], $0x4000  }
0x85: {  	[sflag:s14] =	ssyncset.done $0x0  }
0x86: {  	[sflag:s14] =	ssyncadd.s32 $0xFFFFC000  }
0x87: {  	_ =	swait.ge [sflag:s20], $0x4000  }
0x88: {  	[sflag:s20] =	ssyncset.done $0x0  }
0x89: {  	[sflag:s20] =	ssyncadd.s32 $0xFFFFC000  }
0x8a: {  	[spmem:s3] =	stream.indirect.scatter.add.f32 [tilespmem:s18], [sflag:$0x3], $0x80, s22, s16, $0xb8;
	[tilespmem:$0x1E400] =	vst v63  }
0x8b: {  	_ =	swait.ge [sflag:s14], $0x4000  }
0x8c: {  	s23 =	sadd.s32 $0x1, s23;
	[sflag:s14] =	ssyncset.done $0x0  }
0x8d: {  	p0 =	sne.s32 s23, s8;
	[sflag:s14] =	ssyncadd.s32 $0xFFFFC000  }
.Ltmp2:
0x8e: {  	[bflag:$0x0] =	sbarrier.arrive $0xFFFF;
	(pc) =	sbr.rel @p0 .LBB2_1-.Ltmp2, $4  }
0x8f: {  	[hbm:s7], [sflag:s6] =	dma.local [spmem:s13], $0x2780  }
0x90: {  	_ =	swait.ge [sflag:s14], $0x2780  }
0x91: {  	[sflag:s14] =	ssyncset.done $0x0  }
0x92: {  	[sflag:s14] =	ssyncadd.s32 $0xFFFFD880  }
0x93: {  	_ =	sfence.sel $0x180000  }
0x94: {  	[bflag:$0x0] =	sbarrier.arrive $0xFFFF  }
0x95: {  	p0 =	sne.s32 s2, $0x0;
	_ =	strace $0x90000047  }
0x96: {  	s0 =	sadd.s32 @!p0 $0x100000, s0;
	[bflag:$0x2] =	sbarrier.arrive $0xFFFF  }
0x97: {  	[sflag:s0] =	ssyncadd.tile.s32 @!p0 $0x1;
	_ =	shalt  }
.Lfunc_end2:
_tile_overlayer_lowered:
.L_overlay_start_2:
0x98: {  	(tag) =	ssettag $0x2  }
0x99: {  	s0 =	rddreg [dreg:$0x0];
	s2 =	stileid.u32  }
0x9a: {  	s1 =	rddreg [dreg:$0x1];
	p0 =	sne.s32 s2, $0x0  }
0x9b: {  	s3 =	rddreg [dreg:$0x2];
	[bflag:$0x3] =	sbarrier.arrive $0xFFFF;
	s2 =	simm.s32 @!p0 $0x1C03  }
0x9c: {  	[timem:s3], [sflag:s2] =	dma.local @!p0 [hbm:s0], s1  }
0x9d: {  	s0 =	simm.s32 @!p0 $0x3  }
0x9e: {  	_ =	swait.ge @!p0 [sflag:s0], s1  }
0x9f: {  	s1 =	ssub.s32 @!p0 $0x0, s1;
	[sflag:s0] =	ssyncset.done @!p0 $0x0  }
0xa0: {  	[sflag:s0] =	ssyncadd.s32 @!p0 s1  }
0xa1: {  	[bflag:$0x3] =	sbarrier.arrive $0xFFFF  }
0xa2: {  	_ =	shalt  }

</sc_bundles>
